<compile_context>
chip_gen: v7x
topology: tpu7x:2x2x1
jax: 0.10.2.dev20260603
libtpu: 0.0.44.dev20260713+nightly
codegen_flags: <defaults>
</compile_context>

<pallas_src>
import functools

import jax
import jax.numpy as jnp
import numpy as np
from jax.experimental import pallas as pl
from jax.experimental.pallas import tpu as pltpu

NLAT_IN, NLON_IN = 181, 360
NLAT_OUT, NLON_OUT = 361, 720


def _perm_matrices():
    p = np.zeros((NLAT_OUT, NLAT_OUT), np.float32)
    for k in range(NLAT_IN):
        p[2 * k if k < NLAT_IN - 1 else NLAT_OUT - 1, k] = 1.0
    for k in range(NLAT_IN - 1):
        p[2 * k + 1, NLAT_IN + k] = 1.0
    g1 = np.zeros((NLON_IN, NLON_OUT), np.float32)
    g2 = np.zeros((NLON_IN, NLON_OUT), np.float32)
    for j in range(NLON_IN):
        g1[j, 2 * j] = 1.0
        g2[j, 2 * j + 1] = 1.0
    return (jnp.asarray(p, jnp.bfloat16), jnp.asarray(g1, jnp.bfloat16),
            jnp.asarray(g2, jnp.bfloat16))


_PIO2_CHUNKS = (1.5625, 0.0081787109375, 0.00011730194091796875,
                3.129243850708008e-07, 9.89530235528946e-10,
                2.5579538487363607e-12)
_TWO_OVER_PI = 0.6366197723675814
_SA = (-0.1666666716337204, 0.008333331905305386,
       -0.00019840063760057092, 2.7247585876466474e-06)
_CB = (-0.5, 0.04166664928197861,
       -0.0013887586537748575, 2.446331382088829e-05)


def _mid_exact(a, b):
    omega = b - a
    somega = jnp.sin(omega)
    cond = somega > 0.0001
    safe = jnp.where(cond, somega, 1.0)
    t = jnp.where(cond, jnp.sin(0.5 * omega) / safe, 0.5)
    return t * a + t * b


def _mid(a, b):
    omega = b - a
    h = 0.5 * omega
    n = jnp.round(h * _TWO_OVER_PI)
    r = h
    for c in _PIO2_CHUNKS:
        r = r - n * jnp.float32(c)
    r2 = r * r
    sr = r + r * r2 * (_SA[0] + r2 * (_SA[1] + r2 * (_SA[2] + r2 * _SA[3])))
    cr = 1.0 + r2 * (_CB[0] + r2 * (_CB[1] + r2 * (_CB[2] + r2 * _CB[3])))
    par = n - 2.0 * jnp.floor(0.5 * n)
    d = n - 4.0 * jnp.floor(0.25 * n)
    somega = (2.0 * sr * cr) * (1.0 - 2.0 * par)
    ch = jnp.where(par == 1.0, sr, cr)
    ch = ch * jnp.where((d == 1.0) | (d == 2.0), -1.0, 1.0)
    cond = somega > 0.0001
    t = jnp.where(cond, 0.5 / ch, 0.5)
    return t * a + t * b


def _split3(z):
    p0 = z.astype(jnp.bfloat16)
    r = z - p0.astype(jnp.float32)
    p1 = r.astype(jnp.bfloat16)
    p2 = (r - p1.astype(jnp.float32)).astype(jnp.bfloat16)
    return p0, p1, p2


def _split2(z):
    p0 = z.astype(jnp.bfloat16)
    p1 = (z - p0.astype(jnp.float32)).astype(jnp.bfloat16)
    return p0, p1


def _dot(a, b):
    return jax.lax.dot(a, b, preferred_element_type=jnp.float32)


def _body(x_ref, p_ref, g1_ref, g2_ref, o_ref, *, blk):
    x = x_ref[...]
    mid = _mid_exact(x[:, :-1, :], x[:, 1:, :])
    z = jnp.concatenate([x, mid], axis=1)
    p = p_ref[...]
    zp = _split3(z)
    rows = jnp.stack(
        [sum(_dot(p, zq[c]) for zq in zp) for c in range(blk)], axis=0
    )
    right = jnp.concatenate([rows[:, :, 1:], rows[:, :, :1]], axis=-1)
    oddc = _mid(rows, right)
    r2 = rows.reshape(blk * NLAT_OUT, NLON_IN)
    o2 = oddc.reshape(blk * NLAT_OUT, NLON_IN)
    g1 = g1_ref[...]
    g2 = g2_ref[...]
    out = _dot(r2.astype(jnp.bfloat16), g1)
    out = out + _dot(o2.astype(jnp.bfloat16), g2)
    o_ref[...] = out.reshape(blk, NLAT_OUT, NLON_OUT)


def kernel(x):
    b, c, _, _ = x.shape
    n = b * c
    xf = x.reshape(n, NLAT_IN, NLON_IN)
    pm, g1m, g2m = _perm_matrices()
    C = 1
    out = pl.pallas_call(
        functools.partial(_body, blk=C),
        grid=(n // C,),
        in_specs=[
            pl.BlockSpec((C, NLAT_IN, NLON_IN), lambda i: (i, 0, 0)),
            pl.BlockSpec((NLAT_OUT, NLAT_OUT), lambda i: (0, 0)),
            pl.BlockSpec((NLON_IN, NLON_OUT), lambda i: (0, 0)),
            pl.BlockSpec((NLON_IN, NLON_OUT), lambda i: (0, 0)),
        ],
        out_specs=pl.BlockSpec((C, NLAT_OUT, NLON_OUT), lambda i: (i, 0, 0)),
        out_shape=jax.ShapeDtypeStruct((n, NLAT_OUT, NLON_OUT), x.dtype),
        compiler_params=pltpu.CompilerParams(
            dimension_semantics=("parallel",)),
    )(xf, pm, g1m, g2m)
    return out.reshape(b, c, NLAT_OUT, NLON_OUT)

# --- scband reference (transcript-rebuilt; emitter-appended) ---
"""Pipeline reference for scband-distributed-resample-s2-26929444946057 (READ-ONLY COPY).

The authoritative reference and input builder live on the scoring server;
editing this copy changes nothing except your own understanding.
"""

import jax, jax.numpy as jnp
import numpy as np
import math

NLAT_IN, NLON_IN = 181, 360
NLAT_OUT, NLON_OUT = 361, 720


def _precompute():
    # equiangular grid: colatitudes linspace(0, pi) inclusive of poles,
    # longitudes linspace(0, 2pi) exclusive of endpoint
    lats_in = np.linspace(0.0, math.pi, NLAT_IN)
    lats_out = np.linspace(0.0, math.pi, NLAT_OUT)
    lat_idx = np.searchsorted(lats_in, lats_out, side='right') - 1
    lat_idx = np.where(lats_out == lats_in[-1], lat_idx - 1, lat_idx)
    lat_w = ((lats_out - lats_in[lat_idx]) / np.diff(lats_in)[lat_idx]).astype(np.float32)[:, None]
    lons_in = np.linspace(0.0, 2.0 * math.pi, NLON_IN, endpoint=False)
    lons_out = np.linspace(0.0, 2.0 * math.pi, NLON_OUT, endpoint=False)
    lon_l = np.searchsorted(lons_in, lons_out, side='right') - 1
    lon_r = np.where(lons_out >= lons_in[-1], np.zeros_like(lon_l), lon_l + 1)
    diff = lons_in[lon_r] - lons_in[lon_l]
    diff = np.where(diff < 0.0, diff + 2.0 * math.pi, diff)
    lon_w = ((lons_out - lons_in[lon_l]) / diff).astype(np.float32)
    return (jnp.asarray(lat_idx), jnp.asarray(lat_w), jnp.asarray(lon_l),
            jnp.asarray(lon_r), jnp.asarray(lon_w))


LAT_IDX, LAT_W, LON_L, LON_R, LON_W = _precompute()


def _spherical_lerp(xl, xr, w):
    # bilinear-spherical interpolation (slerp-style weighting)
    omega = xr - xl
    somega = jnp.sin(omega)
    cond = somega > 0.0001
    safe = jnp.where(cond, somega, 1.0)
    start = jnp.where(cond, jnp.sin((1.0 - w) * omega) / safe, 1.0 - w)
    end = jnp.where(cond, jnp.sin(w * omega) / safe, w)
    return start * xl + end * xr


def setup_inputs(seed: int = 0) -> dict:
    key = jax.random.key(seed)
    x = jax.random.normal(key, (2, 128, NLAT_IN, NLON_IN), dtype=jnp.float32)
    return {"x": x}


def reference(x):
    # both grids include the poles (linspace 0..pi), so expand_poles is False
    # and comm sizes are 1, so forward = upscale_latitudes then upscale_longitudes
    xl = jnp.take(x, LAT_IDX, axis=-2)
    xr = jnp.take(x, LAT_IDX + 1, axis=-2)
    x = _spherical_lerp(xl, xr, LAT_W.astype(x.dtype))
    xl = jnp.take(x, LON_L, axis=-1)
    xr = jnp.take(x, LON_R, axis=-1)
    x = _spherical_lerp(xl, xr, LON_W.astype(x.dtype))
    return x

if __name__ == "__main__":
    import jax
    _d = setup_inputs()
    print(jax.jit(kernel)(*tuple(_d.values())))

</pallas_src>

<mosaic_0001>
module attributes {stable_mosaic.version = 14 : i64} {
  func.func @_body(%arg0: i32, %arg1: memref<1x181x360xf32, #tpu.memory_space<vmem>>, %arg2: memref<361x361xbf16, #tpu.memory_space<vmem>>, %arg3: memref<360x720xbf16, #tpu.memory_space<vmem>>, %arg4: memref<360x720xbf16, #tpu.memory_space<vmem>>, %arg5: memref<1x361x720xf32, #tpu.memory_space<vmem>>) attributes {dimension_semantics = [#tpu.dimension_semantics<parallel>], iteration_bounds = array<i64: 256>, scalar_prefetch = 0 : i64, scratch_operands = 0 : i64, tpu.core_type = #tpu.core_type<tc>, window_params = [{transform_indices = @transform_0, window_bounds = array<i64: 1, 181, 360>}, {pipeline_mode = #tpu.pipeline_mode<synchronous>, transform_indices = @transform_1, window_bounds = array<i64: 361, 361>}, {pipeline_mode = #tpu.pipeline_mode<synchronous>, transform_indices = @transform_2, window_bounds = array<i64: 360, 720>}, {pipeline_mode = #tpu.pipeline_mode<synchronous>, transform_indices = @transform_3, window_bounds = array<i64: 360, 720>}, {transform_indices = @transform_4, window_bounds = array<i64: 1, 361, 720>}]} {
    %get3A = arith.constant 0 : index
    %get3A_0 = arith.constant 0 : index
    %get3A_1 = arith.constant 0 : index
    %get3A_2 = vector.load %arg1[%get3A, %get3A_0, %get3A_1] : memref<1x181x360xf32, #tpu.memory_space<vmem>>, vector<1x181x360xf32>
    %slice3A = vector.extract_strided_slice %get3A_2 {offsets = [0, 0, 0], sizes = [1, 180, 360], strides = [1, 1, 1]} : vector<1x181x360xf32> to vector<1x180x360xf32>
    %slice3A_3 = vector.extract_strided_slice %get3A_2 {offsets = [0, 1, 0], sizes = [1, 180, 360], strides = [1, 1, 1]} : vector<1x181x360xf32> to vector<1x180x360xf32>
    %sub3A = arith.subf %slice3A_3, %slice3A : vector<1x180x360xf32>
    %sin3A = math.sin %sub3A : vector<1x180x360xf32>
    %gt3A = arith.constant 9.99999974E-5 : f32
    %gt3A_4 = vector.broadcast %gt3A : f32 to vector<1x180x360xf32>
    %gt3A_5 = arith.cmpf ogt, %sin3A, %gt3A_4 : vector<1x180x360xf32>
    %jit3A = arith.constant 1.000000e+00 : f32
    %broadcast_in_dim3A = vector.broadcast %jit3A : f32 to vector<1x180x360xf32>
    %select_n3A = arith.select %gt3A_5, %sin3A, %broadcast_in_dim3A : vector<1x180x360xi1>, vector<1x180x360xf32>
    %mul3A = arith.constant 5.000000e-01 : f32
    %mul3A_6 = vector.broadcast %mul3A : f32 to vector<1x180x360xf32>
    %mul3A_7 = arith.mulf %mul3A_6, %sub3A : vector<1x180x360xf32>
    %sin3A_8 = math.sin %mul3A_7 : vector<1x180x360xf32>
    %div3A = arith.divf %sin3A_8, %select_n3A : vector<1x180x360xf32>
    %jit3A_9 = arith.constant 5.000000e-01 : f32
    %broadcast_in_dim3A_10 = vector.broadcast %jit3A_9 : f32 to vector<1x180x360xf32>
    %select_n3A_11 = arith.select %gt3A_5, %div3A, %broadcast_in_dim3A_10 : vector<1x180x360xi1>, vector<1x180x360xf32>
    %mul3A_12 = arith.mulf %select_n3A_11, %slice3A : vector<1x180x360xf32>
    %mul3A_13 = arith.mulf %select_n3A_11, %slice3A_3 : vector<1x180x360xf32>
    %add3A = arith.addf %mul3A_12, %mul3A_13 : vector<1x180x360xf32>
    %concatenate3A = tpu.concatenate %get3A_2, %add3A in 1 : vector<1x181x360xf32>, vector<1x180x360xf32> -> vector<1x361x360xf32>
    %get3A_14 = arith.constant 0 : index
    %get3A_15 = arith.constant 0 : index
    %get3A_16 = vector.load %arg2[%get3A_14, %get3A_15] : memref<361x361xbf16, #tpu.memory_space<vmem>>, vector<361x361xbf16>
    %convert_element_type3A = arith.truncf %concatenate3A : vector<1x361x360xf32> to vector<1x361x360xbf16>
    %convert_element_type3A_17 = arith.extf %convert_element_type3A : vector<1x361x360xbf16> to vector<1x361x360xf32>
    %sub3A_18 = arith.subf %concatenate3A, %convert_element_type3A_17 : vector<1x361x360xf32>
    %convert_element_type3A_19 = arith.truncf %sub3A_18 : vector<1x361x360xf32> to vector<1x361x360xbf16>
    %convert_element_type3A_20 = arith.extf %convert_element_type3A_19 : vector<1x361x360xbf16> to vector<1x361x360xf32>
    %sub3A_21 = arith.subf %sub3A_18, %convert_element_type3A_20 : vector<1x361x360xf32>
    %convert_element_type3A_22 = arith.truncf %sub3A_21 : vector<1x361x360xf32> to vector<1x361x360xbf16>
    %squeeze3A = vector.shape_cast %convert_element_type3A : vector<1x361x360xbf16> to vector<361x360xbf16>
    %dot_general3A = arith.constant dense<0.000000e+00> : vector<361x360xf32>
    %dot_general3A_23 = tpu.matmul %get3A_16, %squeeze3A, %dot_general3A {dimension_numbers = #tpu.dot_dimension_numbers<[1], [0], [0], [1], [0, 0, 1, 1], [], []>, transpose_lhs_hint = false} : vector<361x361xbf16>, vector<361x360xbf16>, vector<361x360xf32> -> vector<361x360xf32>
    %add3A_24 = arith.constant 0.000000e+00 : f32
    %add3A_25 = vector.broadcast %add3A_24 : f32 to vector<361x360xf32>
    %add3A_26 = arith.addf %add3A_25, %dot_general3A_23 : vector<361x360xf32>
    %squeeze3A_27 = vector.shape_cast %convert_element_type3A_19 : vector<1x361x360xbf16> to vector<361x360xbf16>
    %dot_general3A_28 = arith.constant dense<0.000000e+00> : vector<361x360xf32>
    %dot_general3A_29 = tpu.matmul %get3A_16, %squeeze3A_27, %dot_general3A_28 {dimension_numbers = #tpu.dot_dimension_numbers<[1], [0], [0], [1], [0, 0, 1, 1], [], []>, transpose_lhs_hint = false} : vector<361x361xbf16>, vector<361x360xbf16>, vector<361x360xf32> -> vector<361x360xf32>
    %add3A_30 = arith.addf %add3A_26, %dot_general3A_29 : vector<361x360xf32>
    %squeeze3A_31 = vector.shape_cast %convert_element_type3A_22 : vector<1x361x360xbf16> to vector<361x360xbf16>
    %dot_general3A_32 = arith.constant dense<0.000000e+00> : vector<361x360xf32>
    %dot_general3A_33 = tpu.matmul %get3A_16, %squeeze3A_31, %dot_general3A_32 {dimension_numbers = #tpu.dot_dimension_numbers<[1], [0], [0], [1], [0, 0, 1, 1], [], []>, transpose_lhs_hint = false} : vector<361x361xbf16>, vector<361x360xbf16>, vector<361x360xf32> -> vector<361x360xf32>
    %add3A_34 = arith.addf %add3A_30, %dot_general3A_33 : vector<361x360xf32>
    %stack3A = vector.shape_cast %add3A_34 : vector<361x360xf32> to vector<1x361x360xf32>
    %slice3A_35 = vector.extract_strided_slice %stack3A {offsets = [0, 0, 1], sizes = [1, 361, 359], strides = [1, 1, 1]} : vector<1x361x360xf32> to vector<1x361x359xf32>
    %slice3A_36 = vector.extract_strided_slice %stack3A {offsets = [0, 0, 0], sizes = [1, 361, 1], strides = [1, 1, 1]} : vector<1x361x360xf32> to vector<1x361x1xf32>
    %concatenate3A_37 = tpu.concatenate %slice3A_35, %slice3A_36 in 2 : vector<1x361x359xf32>, vector<1x361x1xf32> -> vector<1x361x360xf32>
    %sub3A_38 = arith.subf %concatenate3A_37, %stack3A : vector<1x361x360xf32>
    %mul3A_39 = arith.constant 5.000000e-01 : f32
    %mul3A_40 = vector.broadcast %mul3A_39 : f32 to vector<1x361x360xf32>
    %mul3A_41 = arith.mulf %mul3A_40, %sub3A_38 : vector<1x361x360xf32>
    %mul3A_42 = arith.constant 0.636619746 : f32
    %mul3A_43 = vector.broadcast %mul3A_42 : f32 to vector<1x361x360xf32>
    %mul3A_44 = arith.mulf %mul3A_41, %mul3A_43 : vector<1x361x360xf32>
    %round3A = math.roundeven %mul3A_44 : vector<1x361x360xf32>
    %mul3A_45 = arith.constant 1.562500e+00 : f32
    %mul3A_46 = vector.broadcast %mul3A_45 : f32 to vector<1x361x360xf32>
    %mul3A_47 = arith.mulf %round3A, %mul3A_46 : vector<1x361x360xf32>
    %sub3A_48 = arith.subf %mul3A_41, %mul3A_47 : vector<1x361x360xf32>
    %mul3A_49 = arith.constant 0.00817871093 : f32
    %mul3A_50 = vector.broadcast %mul3A_49 : f32 to vector<1x361x360xf32>
    %mul3A_51 = arith.mulf %round3A, %mul3A_50 : vector<1x361x360xf32>
    %sub3A_52 = arith.subf %sub3A_48, %mul3A_51 : vector<1x361x360xf32>
    %mul3A_53 = arith.constant 1.17301941E-4 : f32
    %mul3A_54 = vector.broadcast %mul3A_53 : f32 to vector<1x361x360xf32>
    %mul3A_55 = arith.mulf %round3A, %mul3A_54 : vector<1x361x360xf32>
    %sub3A_56 = arith.subf %sub3A_52, %mul3A_55 : vector<1x361x360xf32>
    %mul3A_57 = arith.constant 3.12924385E-7 : f32
    %mul3A_58 = vector.broadcast %mul3A_57 : f32 to vector<1x361x360xf32>
    %mul3A_59 = arith.mulf %round3A, %mul3A_58 : vector<1x361x360xf32>
    %sub3A_60 = arith.subf %sub3A_56, %mul3A_59 : vector<1x361x360xf32>
    %mul3A_61 = arith.constant 9.89530235E-10 : f32
    %mul3A_62 = vector.broadcast %mul3A_61 : f32 to vector<1x361x360xf32>
    %mul3A_63 = arith.mulf %round3A, %mul3A_62 : vector<1x361x360xf32>
    %sub3A_64 = arith.subf %sub3A_60, %mul3A_63 : vector<1x361x360xf32>
    %mul3A_65 = arith.constant 2.55795385E-12 : f32
    %mul3A_66 = vector.broadcast %mul3A_65 : f32 to vector<1x361x360xf32>
    %mul3A_67 = arith.mulf %round3A, %mul3A_66 : vector<1x361x360xf32>
    %sub3A_68 = arith.subf %sub3A_64, %mul3A_67 : vector<1x361x360xf32>
    %mul3A_69 = arith.mulf %sub3A_68, %sub3A_68 : vector<1x361x360xf32>
    %mul3A_70 = arith.mulf %sub3A_68, %mul3A_69 : vector<1x361x360xf32>
    %mul3A_71 = arith.constant 2.72475859E-6 : f32
    %mul3A_72 = vector.broadcast %mul3A_71 : f32 to vector<1x361x360xf32>
    %mul3A_73 = arith.mulf %mul3A_69, %mul3A_72 : vector<1x361x360xf32>
    %add3A_74 = arith.constant -1.98400638E-4 : f32
    %add3A_75 = vector.broadcast %add3A_74 : f32 to vector<1x361x360xf32>
    %add3A_76 = arith.addf %add3A_75, %mul3A_73 : vector<1x361x360xf32>
    %mul3A_77 = arith.mulf %mul3A_69, %add3A_76 : vector<1x361x360xf32>
    %add3A_78 = arith.constant 0.00833333191 : f32
    %add3A_79 = vector.broadcast %add3A_78 : f32 to vector<1x361x360xf32>
    %add3A_80 = arith.addf %add3A_79, %mul3A_77 : vector<1x361x360xf32>
    %mul3A_81 = arith.mulf %mul3A_69, %add3A_80 : vector<1x361x360xf32>
    %add3A_82 = arith.constant -0.166666672 : f32
    %add3A_83 = vector.broadcast %add3A_82 : f32 to vector<1x361x360xf32>
    %add3A_84 = arith.addf %add3A_83, %mul3A_81 : vector<1x361x360xf32>
    %mul3A_85 = arith.mulf %mul3A_70, %add3A_84 : vector<1x361x360xf32>
    %add3A_86 = arith.addf %sub3A_68, %mul3A_85 : vector<1x361x360xf32>
    %mul3A_87 = arith.constant 2.44633138E-5 : f32
    %mul3A_88 = vector.broadcast %mul3A_87 : f32 to vector<1x361x360xf32>
    %mul3A_89 = arith.mulf %mul3A_69, %mul3A_88 : vector<1x361x360xf32>
    %add3A_90 = arith.constant -0.00138875865 : f32
    %add3A_91 = vector.broadcast %add3A_90 : f32 to vector<1x361x360xf32>
    %add3A_92 = arith.addf %add3A_91, %mul3A_89 : vector<1x361x360xf32>
    %mul3A_93 = arith.mulf %mul3A_69, %add3A_92 : vector<1x361x360xf32>
    %add3A_94 = arith.constant 0.0416666493 : f32
    %add3A_95 = vector.broadcast %add3A_94 : f32 to vector<1x361x360xf32>
    %add3A_96 = arith.addf %add3A_95, %mul3A_93 : vector<1x361x360xf32>
    %mul3A_97 = arith.mulf %mul3A_69, %add3A_96 : vector<1x361x360xf32>
    %add3A_98 = arith.constant -5.000000e-01 : f32
    %add3A_99 = vector.broadcast %add3A_98 : f32 to vector<1x361x360xf32>
    %add3A_100 = arith.addf %add3A_99, %mul3A_97 : vector<1x361x360xf32>
    %mul3A_101 = arith.mulf %mul3A_69, %add3A_100 : vector<1x361x360xf32>
    %add3A_102 = arith.constant 1.000000e+00 : f32
    %add3A_103 = vector.broadcast %add3A_102 : f32 to vector<1x361x360xf32>
    %add3A_104 = arith.addf %add3A_103, %mul3A_101 : vector<1x361x360xf32>
    %mul3A_105 = arith.constant 5.000000e-01 : f32
    %mul3A_106 = vector.broadcast %mul3A_105 : f32 to vector<1x361x360xf32>
    %mul3A_107 = arith.mulf %mul3A_106, %round3A : vector<1x361x360xf32>
    %floor3A = math.floor %mul3A_107 : vector<1x361x360xf32>
    %mul3A_108 = arith.constant 2.000000e+00 : f32
    %mul3A_109 = vector.broadcast %mul3A_108 : f32 to vector<1x361x360xf32>
    %mul3A_110 = arith.mulf %mul3A_109, %floor3A : vector<1x361x360xf32>
    %sub3A_111 = arith.subf %round3A, %mul3A_110 : vector<1x361x360xf32>
    %mul3A_112 = arith.constant 2.500000e-01 : f32
    %mul3A_113 = vector.broadcast %mul3A_112 : f32 to vector<1x361x360xf32>
    %mul3A_114 = arith.mulf %mul3A_113, %round3A : vector<1x361x360xf32>
    %floor3A_115 = math.floor %mul3A_114 : vector<1x361x360xf32>
    %mul3A_116 = arith.constant 4.000000e+00 : f32
    %mul3A_117 = vector.broadcast %mul3A_116 : f32 to vector<1x361x360xf32>
    %mul3A_118 = arith.mulf %mul3A_117, %floor3A_115 : vector<1x361x360xf32>
    %sub3A_119 = arith.subf %round3A, %mul3A_118 : vector<1x361x360xf32>
    %mul3A_120 = arith.constant 2.000000e+00 : f32
    %mul3A_121 = vector.broadcast %mul3A_120 : f32 to vector<1x361x360xf32>
    %mul3A_122 = arith.mulf %mul3A_121, %add3A_86 : vector<1x361x360xf32>
    %mul3A_123 = arith.mulf %mul3A_122, %add3A_104 : vector<1x361x360xf32>
    %mul3A_124 = arith.constant 2.000000e+00 : f32
    %mul3A_125 = vector.broadcast %mul3A_124 : f32 to vector<1x361x360xf32>
    %mul3A_126 = arith.mulf %mul3A_125, %sub3A_111 : vector<1x361x360xf32>
    %sub3A_127 = arith.constant 1.000000e+00 : f32
    %sub3A_128 = vector.broadcast %sub3A_127 : f32 to vector<1x361x360xf32>
    %sub3A_129 = arith.subf %sub3A_128, %mul3A_126 : vector<1x361x360xf32>
    %mul3A_130 = arith.mulf %mul3A_123, %sub3A_129 : vector<1x361x360xf32>
    %eq3A = arith.constant 1.000000e+00 : f32
    %eq3A_131 = vector.broadcast %eq3A : f32 to vector<1x361x360xf32>
    %eq3A_132 = arith.cmpf oeq, %sub3A_111, %eq3A_131 : vector<1x361x360xf32>
    %select_n3A_133 = arith.select %eq3A_132, %add3A_86, %add3A_104 : vector<1x361x360xi1>, vector<1x361x360xf32>
    %eq3A_134 = arith.constant 1.000000e+00 : f32
    %eq3A_135 = vector.broadcast %eq3A_134 : f32 to vector<1x361x360xf32>
    %eq3A_136 = arith.cmpf oeq, %sub3A_119, %eq3A_135 : vector<1x361x360xf32>
    %eq3A_137 = arith.constant 2.000000e+00 : f32
    %eq3A_138 = vector.broadcast %eq3A_137 : f32 to vector<1x361x360xf32>
    %eq3A_139 = arith.cmpf oeq, %sub3A_119, %eq3A_138 : vector<1x361x360xf32>
    %or3A = arith.ori %eq3A_136, %eq3A_139 : vector<1x361x360xi1>
    %jit3A_140 = arith.constant -1.000000e+00 : f32
    %jit3A_141 = arith.constant 1.000000e+00 : f32
    %broadcast_in_dim3A_142 = vector.broadcast %jit3A_140 : f32 to vector<1x361x360xf32>
    %broadcast_in_dim3A_143 = vector.broadcast %jit3A_141 : f32 to vector<1x361x360xf32>
    %select_n3A_144 = arith.select %or3A, %broadcast_in_dim3A_142, %broadcast_in_dim3A_143 : vector<1x361x360xi1>, vector<1x361x360xf32>
    %mul3A_145 = arith.mulf %select_n3A_133, %select_n3A_144 : vector<1x361x360xf32>
    %gt3A_146 = arith.constant 9.99999974E-5 : f32
    %gt3A_147 = vector.broadcast %gt3A_146 : f32 to vector<1x361x360xf32>
    %gt3A_148 = arith.cmpf ogt, %mul3A_130, %gt3A_147 : vector<1x361x360xf32>
    %div3A_149 = arith.constant 5.000000e-01 : f32
    %div3A_150 = vector.broadcast %div3A_149 : f32 to vector<1x361x360xf32>
    %div3A_151 = arith.divf %div3A_150, %mul3A_145 : vector<1x361x360xf32>
    %jit3A_152 = arith.constant 5.000000e-01 : f32
    %broadcast_in_dim3A_153 = vector.broadcast %jit3A_152 : f32 to vector<1x361x360xf32>
    %select_n3A_154 = arith.select %gt3A_148, %div3A_151, %broadcast_in_dim3A_153 : vector<1x361x360xi1>, vector<1x361x360xf32>
    %mul3A_155 = arith.mulf %select_n3A_154, %stack3A : vector<1x361x360xf32>
    %mul3A_156 = arith.mulf %select_n3A_154, %concatenate3A_37 : vector<1x361x360xf32>
    %add3A_157 = arith.addf %mul3A_155, %mul3A_156 : vector<1x361x360xf32>
    %reshape3A = vector.shape_cast %stack3A : vector<1x361x360xf32> to vector<361x360xf32>
    %reshape3A_158 = vector.shape_cast %add3A_157 : vector<1x361x360xf32> to vector<361x360xf32>
    %get3A_159 = arith.constant 0 : index
    %get3A_160 = arith.constant 0 : index
    %get3A_161 = vector.load %arg3[%get3A_159, %get3A_160] : memref<360x720xbf16, #tpu.memory_space<vmem>>, vector<360x720xbf16>
    %get3A_162 = arith.constant 0 : index
    %get3A_163 = arith.constant 0 : index
    %get3A_164 = vector.load %arg4[%get3A_162, %get3A_163] : memref<360x720xbf16, #tpu.memory_space<vmem>>, vector<360x720xbf16>
    %convert_element_type3A_165 = arith.truncf %reshape3A : vector<361x360xf32> to vector<361x360xbf16>
    %dot_general3A_166 = arith.constant dense<0.000000e+00> : vector<361x720xf32>
    %dot_general3A_167 = tpu.matmul %convert_element_type3A_165, %get3A_161, %dot_general3A_166 {dimension_numbers = #tpu.dot_dimension_numbers<[1], [0], [0], [1], [0, 0, 1, 1], [], []>, transpose_lhs_hint = false} : vector<361x360xbf16>, vector<360x720xbf16>, vector<361x720xf32> -> vector<361x720xf32>
    %convert_element_type3A_168 = arith.truncf %reshape3A_158 : vector<361x360xf32> to vector<361x360xbf16>
    %dot_general3A_169 = arith.constant dense<0.000000e+00> : vector<361x720xf32>
    %dot_general3A_170 = tpu.matmul %convert_element_type3A_168, %get3A_164, %dot_general3A_169 {dimension_numbers = #tpu.dot_dimension_numbers<[1], [0], [0], [1], [0, 0, 1, 1], [], []>, transpose_lhs_hint = false} : vector<361x360xbf16>, vector<360x720xbf16>, vector<361x720xf32> -> vector<361x720xf32>
    %add3A_171 = arith.addf %dot_general3A_167, %dot_general3A_170 : vector<361x720xf32>
    %reshape3A_172 = vector.shape_cast %add3A_171 : vector<361x720xf32> to vector<1x361x720xf32>
    %swap3A = arith.constant 0 : index
    %swap3A_173 = arith.constant 0 : index
    %swap3A_174 = arith.constant 0 : index
    %swap3A_175 = vector.load %arg5[%swap3A, %swap3A_173, %swap3A_174] : memref<1x361x720xf32, #tpu.memory_space<vmem>>, vector<1x361x720xf32>
    tpu.vector_store %arg5[%swap3A, %swap3A_173, %swap3A_174], %reshape3A_172 {strides = array<i32>} : memref<1x361x720xf32, #tpu.memory_space<vmem>>, vector<1x361x720xf32>,
    return
  }
  func.func @transform_0(%arg0: i32) -> (i32, i32, i32) {
    %c0_i32 = arith.constant 0 : i32
    %c0_i32_0 = arith.constant 0 : i32
    %c0_i32_1 = arith.constant 0 : i32
    return %arg0, %c0_i32, %c0_i32_0 : i32, i32, i32
  }
  func.func @transform_1(%arg0: i32) -> (i32, i32) {
    %c0_i32 = arith.constant 0 : i32
    %c0_i32_0 = arith.constant 0 : i32
    %c0_i32_1 = arith.constant 0 : i32
    return %c0_i32, %c0_i32_0 : i32, i32
  }
  func.func @transform_2(%arg0: i32) -> (i32, i32) {
    %c0_i32 = arith.constant 0 : i32
    %c0_i32_0 = arith.constant 0 : i32
    %c0_i32_1 = arith.constant 0 : i32
    return %c0_i32, %c0_i32_0 : i32, i32
  }
  func.func @transform_3(%arg0: i32) -> (i32, i32) {
    %c0_i32 = arith.constant 0 : i32
    %c0_i32_0 = arith.constant 0 : i32
    %c0_i32_1 = arith.constant 0 : i32
    return %c0_i32, %c0_i32_0 : i32, i32
  }
  func.func @transform_4(%arg0: i32) -> (i32, i32, i32) {
    %c0_i32 = arith.constant 0 : i32
    %c0_i32_0 = arith.constant 0 : i32
    %c0_i32_1 = arith.constant 0 : i32
    return %arg0, %c0_i32, %c0_i32_0 : i32, i32, i32
  }
}

</mosaic_0001>

<sc_bundles>
// kernel: sparse-core-data-format-call.cloned.1.call-start
scs
called_computation_lowered:
.L_overlay_start_0:
0x0: {  	s2 =	sld [smem:$0x3FD9]  }
0x1: {  	s3 =	sld [smem:$0x3FFE];
	_ =	sdelay $0x1  }
0x2: {  	s1 =	srdreg.scid  }
0x3: {  	s0 =	sand.u32 $0x1, s1  }
0x4: {  	s18 =	sshll.u32 s0, $0xA;
	s2 =	sadd.s32 s3, s2  }
0x5: {  	s2 =	sadd.s32 s2, s18  }
0x6: {  	[smem:$0x3FC7] =	sst s2  }
0x7: {  	_ = 	snop  }
0x8: {  	s2 =	sld [smem:$0x3FD0];
	(tm) =	ssettm $0x1  }
0x9: {  	s19 =	sld [smem:$0x3FFB];
	_ =	sdelay $0x3  }
0xa: {  	_ =	strace s19  }
0xb: {  	s3 =	sld [smem:$0x3FFC];
	_ =	sdelay $0x3  }
0xc: {  	_ =	strace s3  }
0xd: {  	s3 =	sld [smem:$0x3FFD];
	_ =	sdelay $0x3  }
0xe: {  	_ =	strace s3  }
0xf: {  	_ =	strace $0x8FFFFFFF  }
0x10: {  	s20 =	sld [smem:$0x3FDB];
	_ =	sdelay $0x1  }
0x11: {  	s4 =	simm.s32 $_scs_section_size  }
0x12: {  	s5 =	simm.s32 $_size__tile_overlayer_lowered;
	s6 =	simm.s32 $_tile_overlayer_lowered  }
0x13: {  	s23 =	simm.s32 $0x1BFF;
	s22 =	sshll.u32 s6, $0x1;
	s3 =	sadd.s32 s4, s20  }
0x14: {  	s7 =	simm.s32 $0x0;
	s21 =	sshll.u32 s5, $0x1;
	s5 =	sadd.s32 s22, s3  }
0x15: {  	[timem:s7], [sflag:s23] =	dma.local [hbm:s5], s21  }
0x16: {  	_ =	swait.ge [sflag:s23], s21  }
0x17: {  	s4 =	ssub.s32 $0x0, s21;
	[sflag:s23] =	ssyncset.done $0x0  }
0x18: {  	[sflag:s23] =	ssyncadd.s32 s4;
	_ =	sdelay $0x1  }
0x19: {  	s24 =	simm.s32 $0x1B8B  }
0x1a: {  	_ =	swait.ge [sflag:s24], $0x1  }
0x1b: {  	[sflag:s24] =	ssyncset.done $0x0  }
0x1c: {  	s26 =	simm.s32 $0x1B8E;
	s25 =	sld [smem:$0x3FFE];
	[sflag:s24] =	ssyncadd.s32 $0xFFFFFFFF  }
0x1d: {  	s27 =	simm.s32 $execute0_lowered;
	[smem:$0x3FD2] =	sst s26  }
0x1e: {  	s5 =	sshll.u32 s27, $0x1;
	_ =	strace $0x80000046;
	[dreg:$0x1] =	wrdreg $0xFFFFFFFF  }
0x1f: {  	s28 =	simm.s32 $_size_execute0_lowered;
	s3 =	sadd.s32 s3, s5;
	[dreg:$0x0] =	wrdreg $0x0  }
0x20: {  	s5 =	sshll.u32 s28, $0x1;
	[dreg:$0x2] =	wrdreg s3  }
0x21: {  	[dreg:$0x3] =	wrdreg s5  }
0x22: {  	[dreg:$0x4] =	wrdreg $0xC0  }
0x23: {  	_ =	task [dreg:s7], $0x5FFFF  }
0x24: {  	[dreg:$0x1] =	wrdreg $0xFFFFFFFF  }
0x25: {  	[dreg:$0x0] =	wrdreg $0x60  }
0x26: {  	[dreg:$0x2] =	wrdreg s25  }
0x27: {  	[dreg:$0x3] =	wrdreg s2  }
0x28: {  	[dreg:$0x4] =	wrdreg $0x9  }
0x29: {  	_ =	task.clear_ibuf [dreg:s7], $0x5FFFF;
	_ =	strace $0x90000046  }
0x2a: {  	s29 =	simm.s32 $0x9;
	_ =	strace $0x80000048  }
0x2b: {  	_ =	swait.ge [sflag:s29], $0x1  }
0x2c: {  	[sflag:s29] =	ssyncadd.s32 $0xFFFFFFFF  }
0x2d: {  	_ =	strace $0x90000048  }
0x2e: {  	_ =	sfence  }
0x2f: {  	s30 =	sld [smem:$0x0];
	_ =	sdelay $0x2  }
0x30: {  	s31 =	sshll.u32 s1, $0xD;
	s1 =	sshrl.u32 s1, $0x2  }
0x31: {  	s3 =	sand.u32 $0x4000, s31;
	s1 =	sadd.s32 s1, s30  }
0x32: {  	s0 =	sor.u32 s3, s0;
	s1 =	sshll.u32 s1, $0x11  }
0x33: {  	s0 =	sor.u32 s1, s0  }
0x34: {  	s0 =	sadd.s32 $0x8F2B, s0  }
0x35: {  	[sflag:s0] =	ssyncadd.remote.s32 $0x1  }
0x36: {  	_ =	sfence.sel $0xFFFF  }
0x37: {  	[dreg:$0x0] =	wrdreg $0xFFFFFFFF;
	(pc) =	sbr.abs _section_cstart, $3  }
0x38: {  	[dreg:$0x1] =	wrdreg $0xFFFFFFFF  }
0x39: {  	_ =	task.clear_ibuf [dreg:s7], $0x2FFFF;
	_ =	strace $0x9FFFFFFF  }
0x3a: {  	(tm) =	ssettm $0x7FFFFFFF  }
0x3b: {  	_ =	shalt  }
tec
execute0_lowered:
.L_overlay_start_1:
0x0: {  	(tag) =	ssettag $0x1  }
0x1: {  	s0 =	srdreg.scid  }
0x2: {  	s7 =	rddreg [dreg:$0x0];
	s8 =	simm.s32 $0x2;
	s18 =	simm.s32 $0x0  }
0x3: {  	p0 =	por $0x0, $0x0;
	s20 =	simm.s32 $0x0;
	s1 =	sshll.u32 s0, $0x4  }
0x4: {  	s19 =	simm.s32 $0x0;
	s0 =	stileid.u32;
	s1 =	sand.u32 $0x10, s1  }
0x5: {  	s21 =	simm.s32 $0x0;
	s2 =	sor.u32 s0, s1;
	s1 =	sand.u32 $0x1, s0  }
0x6: {  	s9 =	simm.s32 $0x0;
	s3 =	sshrl.u32 s2, $0x1;
	s31 =	ssub.s32 $0x2, s1  }
0x7: {  	s4 =	sshrl.u32 s31, $0x1;
	s2 =	sand.u32 $0x1, s31;
	s5 =	ssub.s32 $0x178, s3  }
0x8: {  	s10 =	simm.s32 $0x0;
	s2 =	sadd.s32 s2, s4;
	s5 =	sshrl.u32 s5, $0x4  }
0x9: {  	s11 =	simm.s32 $0x0;
	s12 =	simm.s32 $0x0;
	s6 =	smul.u32 s5, s2  }
.Ltmp0:
0xa: {  	s13 =	simm.s32 $0x0;
	s4 =	rddreg [dreg:$0x1];
	(pc) =	sbr.rel .LBB1_1-.Ltmp0, $4  }
0xb: {  	s15 =	simm.s32 $0x0;
	s17 =	simm.s32 $0x0;
	s2 =	rddreg [dreg:$0x2]  }
0xc: {  	_ =	strace $0x80000047;
	s5 =	simm.s32 $0x1;
	s6 =	smul.u32 $0x6, s6  }
0xd: {  	s7 =	sadd.s32 $0xA00, s7;
	s16 =	smov.u32 s1;
	[sflag:s5] =	ssyncpa.u1 $0x0  }
0xe: {  	s14 =	smov.u32 s3;
	[sflag:s8] =	ssyncpa.u1 $0x0;
	s8 =	sor.u32 $0x1, s6  }
.LBB1_4:
0xf: {  	[tilespmem:s24+$0x2040 ss:$0x81] =	vst.msk $0xffff, v4  }
0x10: {  	s27 =	sshll.u32 s9, $0x7;
	s28 =	sshll.u32 s11, $0x3;
	[tilespmem:s24+$0x2850 ss:$0x81] =	vst.msk $0xffff, v3  }
0x11: {  	s26 =	sshra.s32 s26, $0x2;
	p1 =	sgt.s32 s12, $0x1;
	s31 =	sshra.s32 s12, $0x1F;
	[tilespmem:s24+$0x3060 ss:$0x81] =	vst.msk $0xffff, v2  }
0x12: {  	s30 =	smov.u32 s10;
	[tilespmem:s24+$0x0 ss:$0x81] =	vst.msk $0xffff, v1;
	s24 =	smov.u32 s9;
	s29 =	sand.u32 $0xFFFFFC00, s27  }
0x13: {  	s28 =	sand.u32 $0xFFFFFC00, s28;
	s25 =	sadd.s32 s26, s25;
	s27 =	sand.u32 $0x380, s27  }
0x14: {  	s26 =	sadd.s32 s28, s29;
	s28 =	smov.u32 s12;
	s29 =	sand.u32 s31, s12  }
0x15: {  	s31 =	sshra.s32 s10, $0x1F;
	s28 =	simm.s32 @!p1 $0x1;
	p1 =	sgt.s32 s10, $0x168  }
0x16: {  	s29 =	sxor.u32 $0xFFFFFFFF, s29;
	s31 =	sand.u32 s31, s10;
	s26 =	sor.u32 s27, s26  }
0x17: {  	s30 =	simm.s32 @!p1 $0x168;
	s27 =	sadd.s32 s29, s28;
	s26 =	sshrl.u32 s26, $0x7  }
0x18: {  	s29 =	ssub.s32 $0x0, s11;
	s28 =	ssub.s32 s30, s31;
	p1 =	sgt.s32 s27, $0x0  }
0x19: {  	s27 =	ssub.s32 $0x1, s27;
	s31 =	smulhi.u32 $0xB60B61, s26;
	s29 =	smin.u32 s11, s29  }
0x1a: {  	v5 =	vld [tilespmem:s23+$0xFFFFFFD0];
	s30 =	sadd.s32 $0xFFFFFE98, s28;
	s27 =	simm.s32 @p1 $0x0;
	s28 =	ssub.s32 $0x169, s28  }
0x1b: {  	v58 =	vld [tilespmem:s23+$0xFFFFFFE0];
	p1 =	sgt.s32 s29, $0x7F;
	s29 =	ssub.s32 $0x80, s29;
	p2 =	sgt.s32 s30, $0x0  }
0x1c: {  	v59 =	vld [tilespmem:s23+$0xFFFFFFF0];
	s30 =	sshrl.u32 s31, $0x1;
	s29 =	simm.s32 @p1 $0x0;
	p1 =	sgt.s32 s9, $0x250  }
0x1d: {  	v60 =	vld [tilespmem:s23+$0x0];
	s31 =	sshra.s32 s9, $0x1F;
	s28 =	simm.s32 @p2 $0x0;
	s27 =	smul.u32 s27, s29  }
0x1e: {  	v61 =	vld [tilespmem:s23+$0x10];
	[tilespmem:s25+$0x3870 ss:$0x81] =	vst.msk $0xffff, v0;
	s30 =	smul.u32 $0x2D0, s30;
	s24 =	simm.s32 @!p1 $0x250;
	s29 =	sand.u32 s31, s9  }
0x1f: {  	v62 =	vld [tilespmem:s23+$0x20];
	[tilespmem:s25+$0x810 ss:$0x81] =	vst.msk $0xffff, v5;
	s24 =	ssub.s32 s24, s29;
	s27 =	smul.u32 s28, s27  }
0x20: {  	v63 =	vld [tilespmem:s23+$0xFFFFFFC0];
	[tilespmem:s25+$0x1020 ss:$0x81] =	vst.msk $0xffff, v58;
	s23 =	ssub.s32 s26, s30;
	s29 =	sadd.s32 $0xFFFFFDB0, s24;
	s28 =	smul.u32 $0x3F7500, s12  }
0x21: {  	[tilespmem:s25+$0x1830 ss:$0x81] =	vst.msk $0xffff, v59;
	s24 =	ssub.s32 $0x2D0, s24;
	s30 =	smul.u32 $0x2D00, s10;
	p1 =	sgt.s32 s29, $0x7F  }
0x22: {  	[tilespmem:s25+$0x2040 ss:$0x81] =	vst.msk $0xffff, v60;
	s31 =	sshrl.u32 s11, $0x3;
	s24 =	simm.s32 @p1 $0x0;
	s28 =	sadd.s32 s4, s28  }
0x23: {  	[tilespmem:s25+$0x2850 ss:$0x81] =	vst.msk $0xffff, v61;
	s24 =	smul.u32 s24, s27;
	s26 =	sadd.s32 s30, s28;
	s30 =	sand.u32 $0xF, s31  }
0x24: {  	[tilespmem:s25+$0x3060 ss:$0x81] =	vst.msk $0xffff, v62;
	s23 =	sshll.u32 s23, $0x4;
	s26 =	sadd.s32 s30, s26  }
0x25: {  	[tilespmem:s25+$0x0 ss:$0x81] =	vst.msk $0xffff, v63;
	s31 =	sand.u32 $0x7, s11;
	s24 =	sand.u32 $0x3FFFFFFF, s24;
	s23 =	sadd.s32 s23, s26  }
0x26: {  	[hbm4b:s23+s31] =	stream.linear.scatter [tilespmem:s22], [sflag:$0x2], s24, $0x20;
	[tilespmem:$0x10100] =	vst v63  }
.LBB1_5:
0x27: {  	p1 =	slt.u32 s17, $0x2;
	s22 =	smov.u32 s21  }
0x28: {  	s25 =	smov.u32 s16;
	p0 =	por !p0, !p0;
	p2 =	sgt.s32 @!p1 s21, $0x1  }
0x29: {  	s23 =	sshra.s32 @!p1 s21, $0x1F;
	s24 =	sshra.s32 @!p1 s20, $0x1F;
	p3 =	sgt.s32 @!p1 s18, $0x250  }
0x2a: {  	s26 =	simm.s32 @!p1 $0x2;
	p2 =	por !p2, p1;
	s21 =	sand.u32 @!p1 s23, s21  }
0x2b: {  	s23 =	smov.u32 s20;
	p3 =	por !p3, p1;
	s22 =	simm.s32 @p2 $0x1  }
0x2c: {  	p2 =	sgt.s32 @!p1 s20, $0x168;
	s21 =	sxor.u32 @!p1 $0xFFFFFFFF, s21;
	s20 =	sand.u32 @!p1 s24, s20  }
0x2d: {  	s24 =	smov.u32 s15;
	p2 =	por !p2, p1;
	s21 =	sadd.s32 @!p1 s21, s22  }
0x2e: {  	s23 =	simm.s32 @p2 $0x168;
	p2 =	sgt.s32 @!p1 s21, $0x0;
	s21 =	ssub.s32 @!p1 $0x1, s21  }
0x2f: {  	s20 =	ssub.s32 @!p1 s23, s20;
	p2 =	por !p2, p1;
	s23 =	smov.u32 s18  }
0x30: {  	s22 =	sadd.s32 @!p1 $0xFFFFFE98, s20;
	s21 =	simm.s32 @!p2 $0x0;
	s20 =	ssub.s32 @!p1 $0x169, s20  }
0x31: {  	s23 =	simm.s32 @p3 $0x250;
	p2 =	sgt.s32 @!p1 s22, $0x0;
	s22 =	ssub.s32 @!p1 $0x0, s19  }
0x32: {  	p2 =	por !p2, p1;
	s19 =	smin.u32 @!p1 s19, s22;
	s22 =	sshra.s32 @!p1 s18, $0x1F  }
0x33: {  	s18 =	sand.u32 @!p1 s22, s18;
	p3 =	sgt.s32 @!p1 s19, $0x7F;
	s19 =	ssub.s32 @!p1 $0x80, s19  }
0x34: {  	s20 =	simm.s32 @!p2 $0x0;
	s18 =	ssub.s32 @!p1 s23, s18;
	p3 =	por !p3, p1  }
0x35: {  	s23 =	smov.u32 s14;
	s22 =	sadd.s32 @!p1 $0xFFFFFDB0, s18;
	s19 =	simm.s32 @!p3 $0x0  }
0x36: {  	p2 =	sgt.s32 @!p1 s22, $0x7F;
	s19 =	smul.u32 @!p1 s21, s19;
	s22 =	sadd.s32 $0x80, s13  }
0x37: {  	s18 =	ssub.s32 @!p1 $0x2D0, s18;
	s21 =	sadd.s32 $0x10, s14;
	p3 =	sgt.s32 s22, $0x2CF  }
0x38: {  	p2 =	por !p2, p1;
	s19 =	smul.u32 @!p1 s20, s19;
	s23 =	smov.u32 @p3 s21  }
0x39: {  	s18 =	simm.s32 @!p2 $0x0;
	s20 =	sadd.s32 $0x80, s15;
	p2 =	sgt.s32 s23, $0x168  }
0x3a: {  	s22 =	simm.s32 @p3 $0x0;
	s21 =	smov.u32 s12;
	s24 =	smov.u32 @p2 s20  }
0x3b: {  	s18 =	smul.u32 @!p1 s18, s19;
	s19 =	sadd.s32 $0x2, s16;
	p3 =	sgt.s32 s24, $0x7F  }
0x3c: {  	s12 =	smov.u32 s16;
	s23 =	smov.u32 @p2 s3;
	s25 =	smov.u32 @p3 s19  }
0x3d: {  	s20 =	smov.u32 s10;
	s10 =	smov.u32 s14;
	p2 =	sgt.s32 s25, $0x1  }
0x3e: {  	s14 =	smov.u32 s23;
	s25 =	smov.u32 @p2 s1;
	p2 =	sne.s32 s17, s8  }
.Ltmp1:
0x3f: {  	s18 =	sand.u32 @!p1 $0x3FFFFFFF, s18;
	s24 =	simm.s32 @p3 $0x0;
	(pc) =	sbr.rel @!p2 .LBB1_6-.Ltmp1, $4  }
0x40: {  	s19 =	smov.u32 s11;
	s11 =	smov.u32 s15;
	_ =	swait.ge @!p1 [sflag:s26], s18  }
0x41: {  	s27 =	ssub.s32 @!p1 $0x0, s18;
	s18 =	smov.u32 s9;
	s9 =	smov.u32 s13  }
0x42: {  	s13 =	smov.u32 s22;
	s15 =	smov.u32 s24;
	[sflag:s26] =	ssyncset.done @!p1 $0x0  }
0x43: {  	s17 =	sadd.s32 $0x1, s17;
	[sflag:s26] =	ssyncadd.s32 @!p1 s27;
	s16 =	smov.u32 s25  }
.LBB1_1:
0x44: {  	p1 =	sge.u32 s17, s6  }
0x45: {  	s22 =	sshrl.u32 @!p1 s14, $0x3  }
0x46: {  	s23 =	sshll.u32 @!p1 s13, $0x3;
	s22 =	smul.u32 @!p1 $0x1800, s22  }
0x47: {  	s24 =	sshll.u32 @!p1 s14, $0x7;
	s23 =	sand.u32 @!p1 $0xFFFFFC00, s23  }
0x48: {  	s22 =	sadd.s32 @!p1 s22, s23;
	s23 =	sand.u32 @!p1 $0x380, s24  }
0x49: {  	s24 =	sand.u32 @!p1 $0x7F, s13;
	s22 =	sor.u32 @!p1 s23, s22  }
0x4a: {  	s23 =	sor.u32 @!p1 s24, s22;
	s22 =	smulhi.u32 @!p1 $0xAAAAAAAB, s22;
	_ =	sdelay $0x1  }
0x4b: {  	s24 =	smulhi.u32 @!p1 $0xAAAAAAAB, s23;
	s22 =	sshrl.u32 @!p1 s22, $0x9  }
0x4c: {  	s25 =	smulhi.u32 @!p1 $0xB21643, s22  }
0x4d: {  	s27 =	smul.u32 @!p1 $0x450000, s16  }
0x4e: {  	s24 =	sshrl.u32 @!p1 s24, $0x9;
	s25 =	smul.u32 @!p1 $0x170, s25  }
0x4f: {  	s31 =	sadd.s32 $0xFFFFFFFF, s17;
	s26 =	sxor.u32 @!p1 $0xFFFFFFFF, s17;
	s24 =	smul.u32 @!p1 $0x300, s24  }
0x50: {  	s26 =	sshll.u32 @!p1 s26, $0xE;
	s22 =	ssub.s32 @!p1 s22, s25;
	s25 =	smul.u32 @!p1 $0x8A00, s15  }
0x51: {  	s23 =	ssub.s32 @!p1 s23, s24;
	s24 =	sadd.s32 @!p1 s7, s27;
	s22 =	smul.u32 @!p1 $0x60, s22  }
0x52: {  	s26 =	sand.u32 @!p1 $0x4000, s26;
	s24 =	sadd.s32 @!p1 s25, s24;
	s25 =	sand.u32 @!p1 $0x7, s23  }
0x53: {  	s23 =	sshrl.u32 @!p1 s23, $0x3;
	s22 =	sadd.s32 @!p1 s22, s24;
	s24 =	sshll.u32 @!p1 s25, $0x12  }
0x54: {  	s22 =	sadd.s32 @!p1 s23, s22;
	s23 =	sor.u32 @!p1 $0x80, s24;
	s24 =	simm.s32 @!p1 $0x45000  }
0x55: {  	[tilespmem:s26], [sflag:$0x1] =	stream.strided.gather @!p1 [hbm4b:s22+s23], $0x4000, s24, s23, $0x38;
	[tilespmem:$0x10100] =	vst v63  }
0x56: {  	p1 =	sge.u32 s31, s6  }
.Ltmp2:
0x57: {  	_ = 	snop;
	(pc) =	sbr.rel @p1 .LBB1_5-.Ltmp2, $1  }
0x58: {  	_ =	sdelay $0x3  }
0x59: {  	s22 =	simm.s32 $0x1  }
0x5a: {  	_ =	swait.ge [sflag:s5], $0x4000;
	s22 =	simm.s32 @!p0 $0x0  }
0x5b: {  	[sflag:s5] =	ssyncset.done $0x0;
	s23 =	sshll.u32 s22, $0xE  }
0x5c: {  	[sflag:s5] =	ssyncadd.s32 $0xFFFFC000;
	s23 =	sor.u32 $0x40, s23  }
0x5d: {  	s22 =	smul.u32 $0x10200, s22;
	v0 =	vld [tilespmem:s23+$0x30]  }
0x5e: {  	v1 =	vld [tilespmem:s23+$0xFFFFFFD0]  }
0x5f: {  	s22 =	sshrl.u32 s22, $0x2;
	v5 =	vld [tilespmem:s23+$0xFFFFFFE0]  }
0x60: {  	v6 =	vld [tilespmem:s23+$0xFFFFFFF0];
	s25 =	sor.u32 $0x8000, s22  }
0x61: {  	s31 =	sand.u32 $0x1, s17;
	v4 =	vld [tilespmem:s23+$0x0];
	s24 =	sadd.s32 $0x0, s25  }
0x62: {  	v3 =	vld [tilespmem:s23+$0x10];
	s22 =	smul.u32 $0x10200, s31;
	[tilespmem:s24+$0x3870 ss:$0x81] =	vst.msk $0xffff, v0  }
0x63: {  	v2 =	vld [tilespmem:s23+$0x20];
	[tilespmem:s24+$0x810 ss:$0x81] =	vst.msk $0xffff, v1  }
0x64: {  	s22 =	sshrl.u32 s22, $0x2;
	v1 =	vld [tilespmem:s23+$0xFFFFFFC0];
	[tilespmem:s24+$0x1020 ss:$0x81] =	vst.msk $0xffff, v5;
	s23 =	sadd.s32 $0x80, s23  }
0x65: {  	s26 =	simm.s32 $0x4;
	s27 =	simm.s32 $0x8;
	s22 =	sor.u32 $0x8000, s22;
	[tilespmem:s24+$0x1830 ss:$0x81] =	vst.msk $0xffff, v6;
	v0 =	vld [tilespmem:s23+$0x30]  }
.LBB1_3:
0x66: {  	p1 =	sne.s32 s27, $0x1FC;
	v5 =	vld [tilespmem:s23+$0xFFFFFFD0];
	[tilespmem:s24+$0x2040 ss:$0x81] =	vst.msk $0xffff, v4  }
0x67: {  	v6 =	vld [tilespmem:s23+$0xFFFFFFE0];
	[tilespmem:s24+$0x2850 ss:$0x81] =	vst.msk $0xffff, v3  }
0x68: {  	s28 =	sshra.s32 s26, $0x2;
	s26 =	smov.u32 s27;
	v7 =	vld [tilespmem:s23+$0xFFFFFFF0];
	[tilespmem:s24+$0x3060 ss:$0x81] =	vst.msk $0xffff, v2  }
.Ltmp3:
0x69: {  	v4 =	vld [tilespmem:s23+$0x0];
	[tilespmem:s24+$0x0 ss:$0x81] =	vst.msk $0xffff, v1;
	s24 =	sadd.s32 s28, s25;
	(pc) =	sbr.rel @p1 .LBB1_3-.Ltmp3, $4  }
0x6a: {  	v3 =	vld [tilespmem:s23+$0x10];
	[tilespmem:s24+$0x3870 ss:$0x81] =	vst.msk $0xffff, v0  }
0x6b: {  	[tilespmem:s24+$0x810 ss:$0x81] =	vst.msk $0xffff, v5;
	v2 =	vld [tilespmem:s23+$0x20]  }
0x6c: {  	v1 =	vld [tilespmem:s23+$0xFFFFFFC0];
	[tilespmem:s24+$0x1020 ss:$0x81] =	vst.msk $0xffff, v6;
	s23 =	sadd.s32 $0x80, s23  }
0x6d: {  	s27 =	sadd.s32 $0x4, s27;
	v0 =	vld [tilespmem:s23+$0x30];
	[tilespmem:s24+$0x1830 ss:$0x81] =	vst.msk $0xffff, v7  }
.Ltmp4:
0x6e: {  	_ = 	snop;
	(pc) =	sbr.rel .LBB1_4-.Ltmp4, $1  }
0x6f: {  	_ =	sdelay $0x3  }
.LBB1_6:
0x70: {  	_ =	sfence.sel $0x180000  }
0x71: {  	s1 =	simm.s32 $0x1;
	[bflag:$0x0] =	sbarrier.arrive $0xFFFF  }
0x72: {  	s31 =	simm.s32 $0x2;
	[sflag:s1] =	ssyncpa.u1 $0x1  }
0x73: {  	[sflag:s31] =	ssyncpa.u1 $0x1  }
0x74: {  	p0 =	sne.s32 s0, $0x0;
	_ =	strace $0x90000047  }
0x75: {  	s0 =	sadd.s32 @!p0 $0x100000, s2;
	[bflag:$0x2] =	sbarrier.arrive $0xFFFF  }
0x76: {  	[sflag:s0] =	ssyncadd.tile.s32 @!p0 $0x1;
	_ =	shalt  }
.Lfunc_end1:
_tile_overlayer_lowered:
.L_overlay_start_2:
0x77: {  	(tag) =	ssettag $0x2  }
0x78: {  	s0 =	rddreg [dreg:$0x0];
	s2 =	stileid.u32  }
0x79: {  	s1 =	rddreg [dreg:$0x1];
	p0 =	sne.s32 s2, $0x0  }
0x7a: {  	s3 =	rddreg [dreg:$0x2];
	[bflag:$0x3] =	sbarrier.arrive $0xFFFF;
	s2 =	simm.s32 @!p0 $0x1C01  }
0x7b: {  	[timem:s3], [sflag:s2] =	dma.local @!p0 [hbm:s0], s1  }
0x7c: {  	s0 =	simm.s32 @!p0 $0x1  }
0x7d: {  	_ =	swait.ge @!p0 [sflag:s0], s1  }
0x7e: {  	s1 =	ssub.s32 @!p0 $0x0, s1;
	[sflag:s0] =	ssyncset.done @!p0 $0x0  }
0x7f: {  	[sflag:s0] =	ssyncadd.s32 @!p0 s1  }
0x80: {  	[bflag:$0x3] =	sbarrier.arrive $0xFFFF  }
0x81: {  	_ =	shalt  }

</sc_bundles>
